<compile_context>
chip_gen: v7x
topology: tpu7x:2x2x1
jax: 0.10.2.dev20260603
libtpu: 0.0.44.dev20260713+nightly
codegen_flags: <defaults>
</compile_context>

<pallas_src>
import functools

import jax
import jax.numpy as jnp
from jax import lax
from jax.experimental import pallas as pl
from jax.experimental.pallas import tpu as pltpu
from jax.experimental.pallas import tpu_sc as plsc

_NC = 2
_NS = 16
_NW = _NC * _NS
_LANES = 16
_UNROLL = 8


def _make_sc_clip(n_total):
    per_w = n_total // _NW
    mesh = plsc.VectorSubcoreMesh(core_axis_name="c", subcore_axis_name="s")

    @functools.partial(
        pl.kernel,
        mesh=mesh,
        out_type=jax.ShapeDtypeStruct((n_total,), jnp.float32),
        scratch_types=[pltpu.VMEM((per_w,), jnp.float32)],
    )
    def sc_clip(w_hbm, out_hbm, w_v):
        wid = lax.axis_index("s") * _NC + lax.axis_index("c")
        base = wid * per_w
        pltpu.sync_copy(w_hbm.at[pl.ds(base, per_w)], w_v)

        chunk = _LANES * _UNROLL

        def step(i, carry):
            off = i * chunk
            for j in range(_UNROLL):
                x = w_v[pl.ds(off + j * _LANES, _LANES)]
                w_v[pl.ds(off + j * _LANES, _LANES)] = jnp.minimum(
                    jnp.maximum(x, 0.0), 1.0
                )
            return carry

        lax.fori_loop(0, per_w // chunk, step, 0)
        pltpu.sync_copy(w_v, out_hbm.at[pl.ds(base, per_w)])

    return sc_clip


def kernel(pre_spikes, post_spikes, weights):
    n_pre, n_post = weights.shape
    flat = weights.reshape(n_pre * n_post)
    out = _make_sc_clip(n_pre * n_post)(flat)
    return out.reshape(n_pre, n_post)

# --- scband reference (transcript-rebuilt; emitter-appended) ---
"""Pipeline reference for scband-stdpplasticity-65747359367902 (READ-ONLY COPY).

The authoritative reference and input builder live on the scoring server;
editing this copy changes nothing except your own understanding.
"""

import jax, jax.numpy as jnp
import numpy as np

TAU_PLUS = 20.0
TAU_MINUS = 20.0
A_PLUS = 0.1
A_MINUS = 0.1
W_MIN, W_MAX = 0.0, 1.0


def setup_inputs(seed: int = 0) -> dict:
    key = jax.random.key(seed)
    k1, k2, k3 = jax.random.split(key, 3)
    pre_spikes = jax.random.uniform(k1, (100, 32, 1024), dtype=jnp.float32)
    post_spikes = jax.random.uniform(k2, (100, 32, 1024), dtype=jnp.float32)
    weights = jax.random.uniform(k3, (1024, 1024), dtype=jnp.float32)
    return {"pre_spikes": pre_spikes, "post_spikes": post_spikes, "weights": weights}


def compute_stdp_delta(pre_spikes, post_spikes, dt=1.0):
    # Faithful translation of the torch module: delta_w is initialized to zeros
    # and NEVER written to (the nested loop body is `pass`, ltp/ltd are computed
    # but discarded). Thus delta_w is exactly zeros regardless of spike content.
    N_pre = pre_spikes.shape[2]
    N_post = post_spikes.shape[2]
    return jnp.zeros((N_pre, N_post), dtype=pre_spikes.dtype)


def reference(pre_spikes, post_spikes, weights):
    delta_w = compute_stdp_delta(pre_spikes, post_spikes)
    new_weights = jnp.clip(weights + delta_w, W_MIN, W_MAX)
    return new_weights

if __name__ == "__main__":
    import jax
    _d = setup_inputs()
    print(jax.jit(kernel)(*tuple(_d.values())))

</pallas_src>

<mosaic_0001>
#map = affine_map<(d0, d1) -> (0)>
module attributes {stable_mosaic.version = 14 : i64} {
  func.func @sc_clip(%arg0: i32, %arg1: i32, %arg2: memref<1048576xf32, #tpu.memory_space<hbm>>, %arg3: memref<1048576xf32, #tpu.memory_space<hbm>>, %arg4: memref<32768xf32, #tpu.memory_space<vmem>>) attributes {dimension_semantics = [#tpu.dimension_semantics<core_parallel>, #tpu.dimension_semantics<subcore_parallel>], iteration_bounds = array<i64: 2, 16>, scalar_prefetch = 0 : i64, scratch_operands = 1 : i64, tpu.core_type = #tpu.core_type<sc_vector_subcore>, window_params = [{transform_indices = #map}, {transform_indices = #map}]} {
    %mul3A = arith.constant 2 : i32
    %mul3A_0 = arith.muli %arg1, %mul3A : i32
    %add3A = arith.addi %mul3A_0, %arg0 : i32
    %mul3A_1 = arith.constant 32768 : i32
    %mul3A_2 = arith.muli %add3A, %mul3A_1 : i32
    "tpu.region"() ({
      %run_scoped3A = tpu.sem_alloc : memref<!tpu.dma_semaphore, #tpu.memory_space<semaphore_mem>>
      %dma_start3A = tpu.memref_slice %arg2[%mul3A_2] : memref<1048576xf32, #tpu.memory_space<hbm>> -> memref<32768xf32, #tpu.memory_space<hbm>>
      %dma_start3A_8 = tpu.memref_slice %arg2[%mul3A_2] : memref<1048576xf32, #tpu.memory_space<hbm>> -> memref<32768xf32, #tpu.memory_space<hbm>>
      tpu.enqueue_dma source(%dma_start3A_8 : memref<32768xf32, #tpu.memory_space<hbm>>) target(%arg4 : memref<32768xf32, #tpu.memory_space<vmem>>) target_semaphore(%run_scoped3A : memref<!tpu.dma_semaphore, #tpu.memory_space<semaphore_mem>>)
      %dma_wait3A = tpu.memref_slice %arg2[%mul3A_2] : memref<1048576xf32, #tpu.memory_space<hbm>> -> memref<32768xf32, #tpu.memory_space<hbm>>
      %dma_wait3A_9 = tpu.memref_slice %arg2[%mul3A_2] : memref<1048576xf32, #tpu.memory_space<hbm>> -> memref<32768xf32, #tpu.memory_space<hbm>>
      tpu.wait_dma2 semaphore(%run_scoped3A : memref<!tpu.dma_semaphore, #tpu.memory_space<semaphore_mem>>) src(%dma_wait3A_9 : memref<32768xf32, #tpu.memory_space<hbm>>) dst(%arg4 : memref<32768xf32, #tpu.memory_space<vmem>>)
      tpu.yield
    }) : () -> ()
    %scan3A = arith.constant 0 : i32
    %scan3A_3 = arith.constant 0 : i32
    %scan3A_4 = arith.constant 256 : i32
    %scan3A_5 = arith.addi %scan3A_3, %scan3A_4 : i32
    %scan3A_6 = arith.constant 1 : i32
    scf.for %scan3A_8 = %scan3A_3 to %scan3A_5 step %scan3A_6  : i32 {
      %mul3A_9 = arith.constant 128 : i32
      %mul3A_10 = arith.muli %scan3A_8, %mul3A_9 : i32
      %add3A_11 = arith.constant 0 : i32
      %add3A_12 = arith.addi %mul3A_10, %add3A_11 : i32
      %get3A = arith.index_cast %add3A_12 : i32 to index
      %get3A_13 = tpu.vector_load %arg4[%get3A] {strides = array<i32>} : memref<32768xf32, #tpu.memory_space<vmem>>, vector<16xf32>,
      %get3A_14 = vector.shape_cast %get3A_13 : vector<16xf32> to vector<16xf32>
      %max3A = arith.constant 0.000000e+00 : f32
      %max3A_15 = vector.broadcast %max3A : f32 to vector<16xf32>
      %max3A_16 = arith.maximumf %get3A_14, %max3A_15 : vector<16xf32>
      %min3A = arith.constant 1.000000e+00 : f32
      %min3A_17 = vector.broadcast %min3A : f32 to vector<16xf32>
      %min3A_18 = arith.minimumf %max3A_16, %min3A_17 : vector<16xf32>
      %add3A_19 = arith.constant 0 : i32
      %add3A_20 = arith.addi %mul3A_10, %add3A_19 : i32
      %swap3A = arith.index_cast %add3A_20 : i32 to index
      %swap3A_21 = tpu.vector_load %arg4[%swap3A] {strides = array<i32>} : memref<32768xf32, #tpu.memory_space<vmem>>, vector<16xf32>,
      %swap3A_22 = vector.shape_cast %swap3A_21 : vector<16xf32> to vector<16xf32>
      %swap3A_23 = vector.shape_cast %min3A_18 : vector<16xf32> to vector<16xf32>
      tpu.vector_store %arg4[%swap3A], %swap3A_23 {strides = array<i32>} : memref<32768xf32, #tpu.memory_space<vmem>>, vector<16xf32>,
      %add3A_24 = arith.constant 16 : i32
      %add3A_25 = arith.addi %mul3A_10, %add3A_24 : i32
      %get3A_26 = arith.index_cast %add3A_25 : i32 to index
      %get3A_27 = tpu.vector_load %arg4[%get3A_26] {strides = array<i32>} : memref<32768xf32, #tpu.memory_space<vmem>>, vector<16xf32>,
      %get3A_28 = vector.shape_cast %get3A_27 : vector<16xf32> to vector<16xf32>
      %max3A_29 = arith.constant 0.000000e+00 : f32
      %max3A_30 = vector.broadcast %max3A_29 : f32 to vector<16xf32>
      %max3A_31 = arith.maximumf %get3A_28, %max3A_30 : vector<16xf32>
      %min3A_32 = arith.constant 1.000000e+00 : f32
      %min3A_33 = vector.broadcast %min3A_32 : f32 to vector<16xf32>
      %min3A_34 = arith.minimumf %max3A_31, %min3A_33 : vector<16xf32>
      %add3A_35 = arith.constant 16 : i32
      %add3A_36 = arith.addi %mul3A_10, %add3A_35 : i32
      %swap3A_37 = arith.index_cast %add3A_36 : i32 to index
      %swap3A_38 = tpu.vector_load %arg4[%swap3A_37] {strides = array<i32>} : memref<32768xf32, #tpu.memory_space<vmem>>, vector<16xf32>,
      %swap3A_39 = vector.shape_cast %swap3A_38 : vector<16xf32> to vector<16xf32>
      %swap3A_40 = vector.shape_cast %min3A_34 : vector<16xf32> to vector<16xf32>
      tpu.vector_store %arg4[%swap3A_37], %swap3A_40 {strides = array<i32>} : memref<32768xf32, #tpu.memory_space<vmem>>, vector<16xf32>,
      %add3A_41 = arith.constant 32 : i32
      %add3A_42 = arith.addi %mul3A_10, %add3A_41 : i32
      %get3A_43 = arith.index_cast %add3A_42 : i32 to index
      %get3A_44 = tpu.vector_load %arg4[%get3A_43] {strides = array<i32>} : memref<32768xf32, #tpu.memory_space<vmem>>, vector<16xf32>,
      %get3A_45 = vector.shape_cast %get3A_44 : vector<16xf32> to vector<16xf32>
      %max3A_46 = arith.constant 0.000000e+00 : f32
      %max3A_47 = vector.broadcast %max3A_46 : f32 to vector<16xf32>
      %max3A_48 = arith.maximumf %get3A_45, %max3A_47 : vector<16xf32>
      %min3A_49 = arith.constant 1.000000e+00 : f32
      %min3A_50 = vector.broadcast %min3A_49 : f32 to vector<16xf32>
      %min3A_51 = arith.minimumf %max3A_48, %min3A_50 : vector<16xf32>
      %add3A_52 = arith.constant 32 : i32
      %add3A_53 = arith.addi %mul3A_10, %add3A_52 : i32
      %swap3A_54 = arith.index_cast %add3A_53 : i32 to index
      %swap3A_55 = tpu.vector_load %arg4[%swap3A_54] {strides = array<i32>} : memref<32768xf32, #tpu.memory_space<vmem>>, vector<16xf32>,
      %swap3A_56 = vector.shape_cast %swap3A_55 : vector<16xf32> to vector<16xf32>
      %swap3A_57 = vector.shape_cast %min3A_51 : vector<16xf32> to vector<16xf32>
      tpu.vector_store %arg4[%swap3A_54], %swap3A_57 {strides = array<i32>} : memref<32768xf32, #tpu.memory_space<vmem>>, vector<16xf32>,
      %add3A_58 = arith.constant 48 : i32
      %add3A_59 = arith.addi %mul3A_10, %add3A_58 : i32
      %get3A_60 = arith.index_cast %add3A_59 : i32 to index
      %get3A_61 = tpu.vector_load %arg4[%get3A_60] {strides = array<i32>} : memref<32768xf32, #tpu.memory_space<vmem>>, vector<16xf32>,
      %get3A_62 = vector.shape_cast %get3A_61 : vector<16xf32> to vector<16xf32>
      %max3A_63 = arith.constant 0.000000e+00 : f32
      %max3A_64 = vector.broadcast %max3A_63 : f32 to vector<16xf32>
      %max3A_65 = arith.maximumf %get3A_62, %max3A_64 : vector<16xf32>
      %min3A_66 = arith.constant 1.000000e+00 : f32
      %min3A_67 = vector.broadcast %min3A_66 : f32 to vector<16xf32>
      %min3A_68 = arith.minimumf %max3A_65, %min3A_67 : vector<16xf32>
      %add3A_69 = arith.constant 48 : i32
      %add3A_70 = arith.addi %mul3A_10, %add3A_69 : i32
      %swap3A_71 = arith.index_cast %add3A_70 : i32 to index
      %swap3A_72 = tpu.vector_load %arg4[%swap3A_71] {strides = array<i32>} : memref<32768xf32, #tpu.memory_space<vmem>>, vector<16xf32>,
      %swap3A_73 = vector.shape_cast %swap3A_72 : vector<16xf32> to vector<16xf32>
      %swap3A_74 = vector.shape_cast %min3A_68 : vector<16xf32> to vector<16xf32>
      tpu.vector_store %arg4[%swap3A_71], %swap3A_74 {strides = array<i32>} : memref<32768xf32, #tpu.memory_space<vmem>>, vector<16xf32>,
      %add3A_75 = arith.constant 64 : i32
      %add3A_76 = arith.addi %mul3A_10, %add3A_75 : i32
      %get3A_77 = arith.index_cast %add3A_76 : i32 to index
      %get3A_78 = tpu.vector_load %arg4[%get3A_77] {strides = array<i32>} : memref<32768xf32, #tpu.memory_space<vmem>>, vector<16xf32>,
      %get3A_79 = vector.shape_cast %get3A_78 : vector<16xf32> to vector<16xf32>
      %max3A_80 = arith.constant 0.000000e+00 : f32
      %max3A_81 = vector.broadcast %max3A_80 : f32 to vector<16xf32>
      %max3A_82 = arith.maximumf %get3A_79, %max3A_81 : vector<16xf32>
      %min3A_83 = arith.constant 1.000000e+00 : f32
      %min3A_84 = vector.broadcast %min3A_83 : f32 to vector<16xf32>
      %min3A_85 = arith.minimumf %max3A_82, %min3A_84 : vector<16xf32>
      %add3A_86 = arith.constant 64 : i32
      %add3A_87 = arith.addi %mul3A_10, %add3A_86 : i32
      %swap3A_88 = arith.index_cast %add3A_87 : i32 to index
      %swap3A_89 = tpu.vector_load %arg4[%swap3A_88] {strides = array<i32>} : memref<32768xf32, #tpu.memory_space<vmem>>, vector<16xf32>,
      %swap3A_90 = vector.shape_cast %swap3A_89 : vector<16xf32> to vector<16xf32>
      %swap3A_91 = vector.shape_cast %min3A_85 : vector<16xf32> to vector<16xf32>
      tpu.vector_store %arg4[%swap3A_88], %swap3A_91 {strides = array<i32>} : memref<32768xf32, #tpu.memory_space<vmem>>, vector<16xf32>,
      %add3A_92 = arith.constant 80 : i32
      %add3A_93 = arith.addi %mul3A_10, %add3A_92 : i32
      %get3A_94 = arith.index_cast %add3A_93 : i32 to index
      %get3A_95 = tpu.vector_load %arg4[%get3A_94] {strides = array<i32>} : memref<32768xf32, #tpu.memory_space<vmem>>, vector<16xf32>,
      %get3A_96 = vector.shape_cast %get3A_95 : vector<16xf32> to vector<16xf32>
      %max3A_97 = arith.constant 0.000000e+00 : f32
      %max3A_98 = vector.broadcast %max3A_97 : f32 to vector<16xf32>
      %max3A_99 = arith.maximumf %get3A_96, %max3A_98 : vector<16xf32>
      %min3A_100 = arith.constant 1.000000e+00 : f32
      %min3A_101 = vector.broadcast %min3A_100 : f32 to vector<16xf32>
      %min3A_102 = arith.minimumf %max3A_99, %min3A_101 : vector<16xf32>
      %add3A_103 = arith.constant 80 : i32
      %add3A_104 = arith.addi %mul3A_10, %add3A_103 : i32
      %swap3A_105 = arith.index_cast %add3A_104 : i32 to index
      %swap3A_106 = tpu.vector_load %arg4[%swap3A_105] {strides = array<i32>} : memref<32768xf32, #tpu.memory_space<vmem>>, vector<16xf32>,
      %swap3A_107 = vector.shape_cast %swap3A_106 : vector<16xf32> to vector<16xf32>
      %swap3A_108 = vector.shape_cast %min3A_102 : vector<16xf32> to vector<16xf32>
      tpu.vector_store %arg4[%swap3A_105], %swap3A_108 {strides = array<i32>} : memref<32768xf32, #tpu.memory_space<vmem>>, vector<16xf32>,
      %add3A_109 = arith.constant 96 : i32
      %add3A_110 = arith.addi %mul3A_10, %add3A_109 : i32
      %get3A_111 = arith.index_cast %add3A_110 : i32 to index
      %get3A_112 = tpu.vector_load %arg4[%get3A_111] {strides = array<i32>} : memref<32768xf32, #tpu.memory_space<vmem>>, vector<16xf32>,
      %get3A_113 = vector.shape_cast %get3A_112 : vector<16xf32> to vector<16xf32>
      %max3A_114 = arith.constant 0.000000e+00 : f32
      %max3A_115 = vector.broadcast %max3A_114 : f32 to vector<16xf32>
      %max3A_116 = arith.maximumf %get3A_113, %max3A_115 : vector<16xf32>
      %min3A_117 = arith.constant 1.000000e+00 : f32
      %min3A_118 = vector.broadcast %min3A_117 : f32 to vector<16xf32>
      %min3A_119 = arith.minimumf %max3A_116, %min3A_118 : vector<16xf32>
      %add3A_120 = arith.constant 96 : i32
      %add3A_121 = arith.addi %mul3A_10, %add3A_120 : i32
      %swap3A_122 = arith.index_cast %add3A_121 : i32 to index
      %swap3A_123 = tpu.vector_load %arg4[%swap3A_122] {strides = array<i32>} : memref<32768xf32, #tpu.memory_space<vmem>>, vector<16xf32>,
      %swap3A_124 = vector.shape_cast %swap3A_123 : vector<16xf32> to vector<16xf32>
      %swap3A_125 = vector.shape_cast %min3A_119 : vector<16xf32> to vector<16xf32>
      tpu.vector_store %arg4[%swap3A_122], %swap3A_125 {strides = array<i32>} : memref<32768xf32, #tpu.memory_space<vmem>>, vector<16xf32>,
      %add3A_126 = arith.constant 112 : i32
      %add3A_127 = arith.addi %mul3A_10, %add3A_126 : i32
      %get3A_128 = arith.index_cast %add3A_127 : i32 to index
      %get3A_129 = tpu.vector_load %arg4[%get3A_128] {strides = array<i32>} : memref<32768xf32, #tpu.memory_space<vmem>>, vector<16xf32>,
      %get3A_130 = vector.shape_cast %get3A_129 : vector<16xf32> to vector<16xf32>
      %max3A_131 = arith.constant 0.000000e+00 : f32
      %max3A_132 = vector.broadcast %max3A_131 : f32 to vector<16xf32>
      %max3A_133 = arith.maximumf %get3A_130, %max3A_132 : vector<16xf32>
      %min3A_134 = arith.constant 1.000000e+00 : f32
      %min3A_135 = vector.broadcast %min3A_134 : f32 to vector<16xf32>
      %min3A_136 = arith.minimumf %max3A_133, %min3A_135 : vector<16xf32>
      %add3A_137 = arith.constant 112 : i32
      %add3A_138 = arith.addi %mul3A_10, %add3A_137 : i32
      %swap3A_139 = arith.index_cast %add3A_138 : i32 to index
      %swap3A_140 = tpu.vector_load %arg4[%swap3A_139] {strides = array<i32>} : memref<32768xf32, #tpu.memory_space<vmem>>, vector<16xf32>,
      %swap3A_141 = vector.shape_cast %swap3A_140 : vector<16xf32> to vector<16xf32>
      %swap3A_142 = vector.shape_cast %min3A_136 : vector<16xf32> to vector<16xf32>
      tpu.vector_store %arg4[%swap3A_139], %swap3A_142 {strides = array<i32>} : memref<32768xf32, #tpu.memory_space<vmem>>, vector<16xf32>,
    }
    %scan3A_7 = arith.constant 256 : i32
    "tpu.region"() ({
      %run_scoped3A = tpu.sem_alloc : memref<!tpu.dma_semaphore, #tpu.memory_space<semaphore_mem>>
      %dma_start3A = tpu.memref_slice %arg3[%mul3A_2] : memref<1048576xf32, #tpu.memory_space<hbm>> -> memref<32768xf32, #tpu.memory_space<hbm>>
      %dma_start3A_8 = tpu.memref_slice %arg3[%mul3A_2] : memref<1048576xf32, #tpu.memory_space<hbm>> -> memref<32768xf32, #tpu.memory_space<hbm>>
      tpu.enqueue_dma source(%arg4 : memref<32768xf32, #tpu.memory_space<vmem>>) target(%dma_start3A_8 : memref<32768xf32, #tpu.memory_space<hbm>>) target_semaphore(%run_scoped3A : memref<!tpu.dma_semaphore, #tpu.memory_space<semaphore_mem>>)
      %dma_wait3A = tpu.memref_slice %arg3[%mul3A_2] : memref<1048576xf32, #tpu.memory_space<hbm>> -> memref<32768xf32, #tpu.memory_space<hbm>>
      %dma_wait3A_9 = tpu.memref_slice %arg3[%mul3A_2] : memref<1048576xf32, #tpu.memory_space<hbm>> -> memref<32768xf32, #tpu.memory_space<hbm>>
      tpu.wait_dma2 semaphore(%run_scoped3A : memref<!tpu.dma_semaphore, #tpu.memory_space<semaphore_mem>>) src(%arg4 : memref<32768xf32, #tpu.memory_space<vmem>>) dst(%dma_wait3A_9 : memref<32768xf32, #tpu.memory_space<hbm>>)
      tpu.yield
    }) : () -> ()
    return
  }
}

</mosaic_0001>

<sc_bundles>
// kernel: kernel.3.cloned.1.call-start
scs
__scs_entry_jumppad:
0x0: {  	(pc) =	sbr.rel $0x88, $3  }
0x1: {  	(tag) =	ssettag $0x0;
	lr =	simm.s32 $0x1  }
0x2: {  	[smem:$0x3FA0] =	sst lr;
	_ =	strace $0xD0000000  }
0x3: {  	_ = 	snop  }
0x4: {  	_ = 	snop  }
0x5: {  	_ = 	snop  }
0x6: {  	_ = 	snop  }
0x7: {  	_ = 	snop  }
__scs_overlays_trampoline_lowered:
0x8: {  	[smem:$0x3FAF] =	sst s0  }
0x9: {  	[smem:$0x3FB0] =	sst s1  }
0xa: {  	[smem:$0x3FB1] =	sst s2  }
0xb: {  	[smem:$0x3FB2] =	sst s3  }
0xc: {  	[smem:$0x3FB3] =	sst s4  }
0xd: {  	[smem:$0x3FB4] =	sst s5  }
0xe: {  	[smem:$0x3FB5] =	sst s6  }
0xf: {  	[smem:$0x3FB6] =	sst s7  }
0x10: {  	[smem:$0x3FB7] =	sst s8  }
0x11: {  	[smem:$0x3FB8] =	sst s9;
	s0 =	simm.s32 @!p0 $0x0  }
0x12: {  	s1 =	sld [smem:$0x3F9E];
	s0 =	simm.s32 @p0 $0x1  }
0x13: {  	[smem:$0x3FB9] =	sst s0;
	s0 =	simm.s32 @!p1 $0x0  }
0x14: {  	s2 =	sld [smem:$0x3F9D];
	s0 =	simm.s32 @p1 $0x1  }
0x15: {  	[smem:$0x3FBA] =	sst s0;
	s0 =	simm.s32 @!p2 $0x0  }
0x16: {  	s3 =	sld [smem:$0x3FDB];
	s0 =	simm.s32 @p2 $0x1  }
0x17: {  	s4 =	simm.s32 $0x1BF5;
	[smem:$0x3FBC] =	sst s0  }
0x18: {  	s0 =	sld [smem:$0x3F9F];
	_ =	swait.ge [sflag:s4], $0x0  }
0x19: {  	s7 =	sld [smem:$0x3FA0]  }
0x1a: {  	s8 =	sadd.s32 $0xFFFFE003, lr  }
0x1b: {  	s9 =	sadd.s32 $0xFFFFFEF7, lr;
	s5 =	simm.s32 $0xFFFFFFFF;
	p2 =	slt.u32 s8, $0xFFFFF086  }
0x1c: {  	p1 =	slt.u32 s9, $0xF7A;
	s5 =	simm.s32 @!p2 $0x0  }
0x1d: {  	s5 =	simm.s32 @p1 $0x1;
	p0 =	seq.s32 s7, s2  }
0x1e: {  	s7 =	smul.u32 @!p0 $0xF7A, s2;
	p2 =	seq.s32 @!p0 s5, $0x0  }
0x1f: {  	s9 =	smul.u32 $0xF7A, s1;
	s8 =	simm.s32 @!p0 $0x1BF5;
	p2 =	por !p2, p0  }
0x20: {  	[sflag:s8] =	ssyncset.s32 @!p0 $0xFFFFF086;
	s6 =	sadd.s32 @!p0 s3, s7;
	s7 =	simm.s32 @!p0 $0x108  }
0x21: {  	s3 =	sadd.s32 s3, s9;
	s6 =	sadd.s32 @!p0 $0x88, s6;
	s7 =	simm.s32 @p2 $0x1082  }
0x22: {  	[simem:s7], [sflag:s8] =	dma.local @!p0 [hbm:s6], $0xF7A  }
0x23: {  	s9 =	sor.u32 $0xD0000000, s2;
	s6 =	simm.s32 $0x108;
	_ =	swait.ge @!p0 [sflag:s8], $0x0  }
0x24: {  	s3 =	sadd.s32 $0x88, s3;
	s6 =	simm.s32 @!p1 $0x1082;
	[sflag:s4] =	ssyncset.s32 $0xFFFFF086  }
0x25: {  	[simem:s6], [sflag:s4] =	dma.local [hbm:s3], $0xF7A  }
0x26: {  	[smem:$0x3FA0] =	sst s1;
	(tag) =	ssettag s2;
	_ =	strace s9  }
0x27: {  	s1 =	sld [smem:$0x3FB0]  }
0x28: {  	s2 =	sld [smem:$0x3FB1]  }
0x29: {  	s4 =	sld [smem:$0x3FB3]  }
0x2a: {  	p0 =	seq.s32 s5, $0x0;
	s5 =	sld [smem:$0x3FB4]  }
0x2b: {  	s6 =	sld [smem:$0x3FB5]  }
0x2c: {  	s7 =	sld [smem:$0x3FB6]  }
0x2d: {  	s3 =	simm.s32 $0x108;
	s8 =	sld [smem:$0x3FB7]  }
0x2e: {  	s3 =	simm.s32 @!p0 $0x1082;
	s9 =	sld [smem:$0x3FB8]  }
0x2f: {  	lr =	sadd.s32 s0, s3;
	s0 =	sld [smem:$0x3FAF]  }
0x30: {  	s3 =	sld [smem:$0x3FB2]  }
0x31: {  	[smem:$0x3FBB] =	sst s10  }
0x32: {  	s10 =	sld [smem:$0x3FB9];
	_ =	sdelay $0x3  }
0x33: {  	p0 =	seq.s32 s10, $0x1;
	s10 =	sld [smem:$0x3FBB];
	_ =	sdelay $0x3  }
0x34: {  	[smem:$0x3FBB] =	sst s10  }
0x35: {  	s10 =	sld [smem:$0x3FBA];
	_ =	sdelay $0x3  }
0x36: {  	p1 =	seq.s32 s10, $0x1;
	s10 =	sld [smem:$0x3FBB];
	_ =	sdelay $0x3  }
0x37: {  	[smem:$0x3FBB] =	sst s10  }
0x38: {  	s10 =	sld [smem:$0x3FBC]  }
0x39: {  	_ = 	snop;
	(pc) =	sbr.ind lr, $3  }
0x3a: {  	_ = 	snop  }
0x3b: {  	_ = 	snop  }
0x3c: {  	p2 =	seq.s32 s10, $0x1;
	s10 =	sld [smem:$0x3FBB]  }
0x3d: {  	_ =	shalt  }
0x3e: {  	_ =	shalt  }
0x3f: {  	_ =	shalt  }
0x40: {  	_ =	shalt  }
0x41: {  	_ =	shalt  }
0x42: {  	_ =	shalt  }
0x43: {  	_ =	shalt  }
0x44: {  	_ =	shalt  }
0x45: {  	_ =	shalt  }
0x46: {  	_ =	shalt  }
0x47: {  	_ =	shalt  }
0x48: {  	_ =	shalt  }
0x49: {  	_ =	shalt  }
0x4a: {  	_ =	shalt  }
0x4b: {  	_ =	shalt  }
0x4c: {  	_ =	shalt  }
0x4d: {  	_ =	shalt  }
0x4e: {  	_ =	shalt  }
0x4f: {  	_ =	shalt  }
0x50: {  	_ =	shalt  }
0x51: {  	_ =	shalt  }
0x52: {  	_ =	shalt  }
0x53: {  	_ =	shalt  }
0x54: {  	_ =	shalt  }
0x55: {  	_ =	shalt  }
0x56: {  	_ =	shalt  }
0x57: {  	_ =	shalt  }
0x58: {  	_ =	shalt  }
0x59: {  	_ =	shalt  }
0x5a: {  	_ =	shalt  }
0x5b: {  	_ =	shalt  }
0x5c: {  	_ =	shalt  }
0x5d: {  	_ =	shalt  }
0x5e: {  	_ =	shalt  }
0x5f: {  	_ =	shalt  }
0x60: {  	_ =	shalt  }
0x61: {  	_ =	shalt  }
0x62: {  	_ =	shalt  }
0x63: {  	_ =	shalt  }
0x64: {  	_ =	shalt  }
0x65: {  	_ =	shalt  }
0x66: {  	_ =	shalt  }
0x67: {  	_ =	shalt  }
0x68: {  	_ =	shalt  }
0x69: {  	_ =	shalt  }
0x6a: {  	_ =	shalt  }
0x6b: {  	_ =	shalt  }
0x6c: {  	_ =	shalt  }
0x6d: {  	_ =	shalt  }
0x6e: {  	_ =	shalt  }
0x6f: {  	_ =	shalt  }
0x70: {  	_ =	shalt  }
0x71: {  	_ =	shalt  }
0x72: {  	_ =	shalt  }
0x73: {  	_ =	shalt  }
0x74: {  	_ =	shalt  }
0x75: {  	_ =	shalt  }
0x76: {  	_ =	shalt  }
0x77: {  	_ =	shalt  }
0x78: {  	_ =	shalt  }
0x79: {  	_ =	shalt  }
0x7a: {  	_ =	shalt  }
0x7b: {  	_ =	shalt  }
0x7c: {  	_ =	shalt  }
0x7d: {  	_ =	shalt  }
0x7e: {  	_ =	shalt  }
0x7f: {  	_ =	shalt  }
0x80: {  	_ =	shalt  }
0x81: {  	_ =	shalt  }
0x82: {  	_ =	shalt  }
0x83: {  	_ =	shalt  }
0x84: {  	_ =	shalt  }
0x85: {  	_ =	shalt  }
0x86: {  	_ =	shalt  }
0x87: {  	_ =	shalt  }
.Lfunc_end0:
.L_simem_size_0:
called_computation_lowered:
.L_overlay_start_0:
0x88: {  	s2 =	sld [smem:$0x3FD9]  }
0x89: {  	s3 =	sld [smem:$0x3FFE];
	_ =	sdelay $0x1  }
0x8a: {  	s1 =	srdreg.scid  }
0x8b: {  	s0 =	sand.u32 $0x1, s1  }
0x8c: {  	s17 =	sshll.u32 s0, $0xA;
	s2 =	sadd.s32 s3, s2  }
0x8d: {  	s2 =	sadd.s32 s2, s17  }
0x8e: {  	[smem:$0x3FC7] =	sst s2  }
0x8f: {  	_ = 	snop  }
0x90: {  	s2 =	sld [smem:$0x3FD0];
	(tm) =	ssettm $0x1  }
0x91: {  	s18 =	sld [smem:$0x3FFB];
	_ =	sdelay $0x3  }
0x92: {  	_ =	strace s18  }
0x93: {  	s3 =	sld [smem:$0x3FFC];
	_ =	sdelay $0x3  }
0x94: {  	_ =	strace s3  }
0x95: {  	s3 =	sld [smem:$0x3FFD];
	_ =	sdelay $0x3  }
0x96: {  	_ =	strace s3  }
0x97: {  	_ =	strace $0x8FFFFFFF  }
0x98: {  	s19 =	sld [smem:$0x3FDB];
	_ =	sdelay $0x1  }
0x99: {  	s4 =	simm.s32 $_scs_section_size  }
0x9a: {  	s5 =	simm.s32 $_size__tile_overlayer_lowered;
	s6 =	simm.s32 $_tile_overlayer_lowered  }
0x9b: {  	s22 =	simm.s32 $0x1BFF;
	s21 =	sshll.u32 s6, $0x1;
	s3 =	sadd.s32 s4, s19  }
0x9c: {  	s7 =	simm.s32 $0x0;
	s20 =	sshll.u32 s5, $0x1;
	s5 =	sadd.s32 s21, s3  }
0x9d: {  	[timem:s7], [sflag:s22] =	dma.local [hbm:s5], s20  }
0x9e: {  	_ =	swait.ge [sflag:s22], s20  }
0x9f: {  	s4 =	ssub.s32 $0x0, s20;
	[sflag:s22] =	ssyncset.done $0x0  }
0xa0: {  	[sflag:s22] =	ssyncadd.s32 s4;
	_ =	sdelay $0x1  }
0xa1: {  	s23 =	simm.s32 $0x1B8B  }
0xa2: {  	_ =	swait.ge [sflag:s23], $0x1  }
0xa3: {  	[sflag:s23] =	ssyncset.done $0x0  }
0xa4: {  	s25 =	simm.s32 $0x1B8E;
	s24 =	sld [smem:$0x3FFE];
	[sflag:s23] =	ssyncadd.s32 $0xFFFFFFFF  }
0xa5: {  	s26 =	simm.s32 $execute0_lowered;
	[smem:$0x3FD2] =	sst s25  }
0xa6: {  	s5 =	sshll.u32 s26, $0x1;
	_ =	strace $0x80000046;
	[dreg:$0x1] =	wrdreg $0xFFFFFFFF  }
0xa7: {  	s28 =	simm.s32 $_size_execute0_lowered;
	s3 =	sadd.s32 s3, s5;
	[dreg:$0x0] =	wrdreg $0x0  }
0xa8: {  	s5 =	sshll.u32 s28, $0x1;
	[dreg:$0x2] =	wrdreg s3  }
0xa9: {  	[dreg:$0x3] =	wrdreg s5  }
0xaa: {  	[dreg:$0x4] =	wrdreg $0xC0  }
0xab: {  	_ =	task [dreg:s7], $0x5FFFF  }
0xac: {  	[dreg:$0x1] =	wrdreg $0xFFFFFFFF  }
0xad: {  	[dreg:$0x0] =	wrdreg $0x60  }
0xae: {  	[dreg:$0x2] =	wrdreg s2  }
0xaf: {  	[dreg:$0x3] =	wrdreg s24  }
0xb0: {  	[dreg:$0x4] =	wrdreg $0x9  }
0xb1: {  	_ =	task.clear_ibuf [dreg:s7], $0x5FFFF;
	_ =	strace $0x90000046  }
0xb2: {  	s29 =	simm.s32 $0x9;
	_ =	strace $0x80000048  }
0xb3: {  	_ =	swait.ge [sflag:s29], $0x1  }
0xb4: {  	[sflag:s29] =	ssyncadd.s32 $0xFFFFFFFF  }
0xb5: {  	_ =	strace $0x90000048  }
0xb6: {  	_ =	sfence  }
0xb7: {  	s30 =	sld [smem:$0x0];
	_ =	sdelay $0x2  }
0xb8: {  	s31 =	sshll.u32 s1, $0xD;
	s1 =	sshrl.u32 s1, $0x2  }
0xb9: {  	s3 =	sand.u32 $0x4000, s31;
	s1 =	sadd.s32 s1, s30  }
0xba: {  	s0 =	sor.u32 s3, s0;
	s1 =	sshll.u32 s1, $0x11  }
0xbb: {  	s0 =	sor.u32 s1, s0  }
0xbc: {  	s0 =	sadd.s32 $0x8F2B, s0  }
0xbd: {  	[sflag:s0] =	ssyncadd.remote.s32 $0x1  }
0xbe: {  	_ =	sfence.sel $0xFFFF  }
0xbf: {  	[dreg:$0x0] =	wrdreg $0xFFFFFFFF;
	(pc) =	sbr.abs _section_cstart, $3  }
0xc0: {  	[dreg:$0x1] =	wrdreg $0xFFFFFFFF  }
0xc1: {  	_ =	task.clear_ibuf [dreg:s7], $0x2FFFF;
	_ =	strace $0x9FFFFFFF  }
0xc2: {  	(tm) =	ssettm $0x7FFFFFFF  }
0xc3: {  	_ =	shalt  }
tec
execute0_lowered:
.L_overlay_start_1:
0x0: {  	(tag) =	ssettag $0x1  }
0x1: {  	s3 =	rddreg [dreg:$0x0]  }
0x2: {  	s4 =	rddreg [dreg:$0x1];
	s2 =	srdreg.scid  }
0x3: {  	s0 =	rddreg [dreg:$0x2];
	s1 =	stileid.u32;
	s5 =	sand.u32 $0x1, s2  }
0x4: {  	s2 =	simm.s32 $0x0;
	s6 =	sshll.u32 s1, $0xD;
	s7 =	sshll.u32 s5, $0xC  }
0x5: {  	[smem:$0x7FF] =	sst s2;
	s5 =	ssub.s32 $0x2, s5;
	s6 =	sor.u32 s7, s6  }
0x6: {  	_ =	strace $0x80000047;
	s31 =	sshrl.u32 s5, $0x1;
	s7 =	simm.s32 $0x0  }
0x7: {  	s4 =	sadd.s32 s6, s4;
	s5 =	ssub.s32 s5, s31;
	s3 =	sadd.s32 s3, s6  }
0x8: {  	s6 =	simm.s32 $0x1;
	s4 =	sadd.s32 $0x400, s4;
	s5 =	smax.u32 s5, $0x1  }
.LBB2_1:
0x9: {  	[tilespmem:s2], [sflag:$0x1] =	stream.linear.gather [hbm4b:s3+s2], $0x8000, $0x38;
	[tilespmem:$0x8000] =	vst v63  }
0xa: {  	_ =	swait.ge [sflag:s6], $0x8000  }
0xb: {  	[sflag:s6] =	ssyncset.done $0x0  }
0xc: {  	s8 =	simm.s32 $0x0;
	[sflag:s6] =	ssyncadd.s32 $0xFFFF8000  }
0xd: {  	v1 =	vld [tilespmem:s8+$0x0]  }
0xe: {  	v2 =	vld [tilespmem:s8+$0x10]  }
0xf: {  	v4 =	vld [tilespmem:s8+$0x20]  }
0x10: {  	v3 =	vld [tilespmem:s8+$0x30]  }
0x11: {  	v0 =	vld [tilespmem:s8+$0x40]  }
0x12: {  	v5 =	vmax.f32 v1, $0.0e+00;
	v1 =	vld [tilespmem:s8+$0x50]  }
0x13: {  	s9 =	simm.s32 $0x200;
	v6 =	vmax.f32 v2, $0.0e+00;
	v2 =	vld [tilespmem:s8+$0x60];
	v5 =	vmin.f32 v5, $1.000000000e+00  }
.LBB2_2:
0x14: {  	s10 =	sshra.s32 s9, $0x2;
	p0 =	sne.s32 s9, $0x1FE00;
	[tilespmem:s8+$0x0] =	vst v5;
	v5 =	vmin.f32 v6, $1.000000000e+00;
	v4 =	vmax.f32 v4, $0.0e+00;
	v6 =	vld [tilespmem:s8+$0x70]  }
0x15: {  	v7 =	vld [tilespmem:s10+$0x0];
	[tilespmem:s8+$0x10] =	vst v5;
	v4 =	vmin.f32 v4, $1.000000000e+00;
	v3 =	vmax.f32 v3, $0.0e+00  }
0x16: {  	v8 =	vld [tilespmem:s10+$0x10];
	[tilespmem:s8+$0x20] =	vst v4;
	v3 =	vmin.f32 v3, $1.000000000e+00;
	v0 =	vmax.f32 v0, $0.0e+00  }
.Ltmp0:
0x17: {  	v4 =	vld [tilespmem:s10+$0x20];
	[tilespmem:s8+$0x30] =	vst v3;
	v0 =	vmin.f32 v0, $1.000000000e+00;
	v1 =	vmax.f32 v1, $0.0e+00;
	(pc) =	sbr.rel @p0 .LBB2_2-.Ltmp0, $4  }
0x18: {  	v3 =	vld [tilespmem:s10+$0x30];
	[tilespmem:s8+$0x40] =	vst v0;
	v1 =	vmin.f32 v1, $1.000000000e+00;
	v2 =	vmax.f32 v2, $0.0e+00  }
0x19: {  	v0 =	vld [tilespmem:s10+$0x40];
	[tilespmem:s8+$0x50] =	vst v1;
	v2 =	vmin.f32 v2, $1.000000000e+00;
	v5 =	vmax.f32 v6, $0.0e+00  }
0x1a: {  	v6 =	vmax.f32 v7, $0.0e+00;
	v1 =	vld [tilespmem:s10+$0x50];
	[tilespmem:s8+$0x60] =	vst v2;
	v7 =	vmin.f32 v5, $1.000000000e+00  }
0x1b: {  	s9 =	sadd.s32 $0x200, s9;
	v5 =	vmin.f32 v6, $1.000000000e+00;
	v6 =	vmax.f32 v8, $0.0e+00;
	v2 =	vld [tilespmem:s10+$0x60];
	[tilespmem:s8+$0x70] =	vst v7;
	s8 =	smov.u32 s10  }
0x1c: {  	[tilespmem:s8+$0x0] =	vst v5;
	v57 =	vmin.f32 v6, $1.000000000e+00;
	v4 =	vmax.f32 v4, $0.0e+00;
	v58 =	vld [tilespmem:s8+$0x70]  }
0x1d: {  	[tilespmem:s8+$0x10] =	vst v57;
	v4 =	vmin.f32 v4, $1.000000000e+00;
	v3 =	vmax.f32 v3, $0.0e+00  }
0x1e: {  	[tilespmem:s8+$0x20] =	vst v4;
	v3 =	vmin.f32 v3, $1.000000000e+00;
	v0 =	vmax.f32 v0, $0.0e+00  }
0x1f: {  	[tilespmem:s8+$0x30] =	vst v3;
	v0 =	vmin.f32 v0, $1.000000000e+00;
	v1 =	vmax.f32 v1, $0.0e+00  }
0x20: {  	[tilespmem:s8+$0x40] =	vst v0;
	v59 =	vmin.f32 v1, $1.000000000e+00;
	v60 =	vmax.f32 v2, $0.0e+00  }
0x21: {  	s7 =	sadd.s32 $0x1, s7;
	[tilespmem:s8+$0x50] =	vst v59;
	v61 =	vmin.f32 v60, $1.000000000e+00;
	v62 =	vmax.f32 v58, $0.0e+00  }
0x22: {  	p0 =	sne.s32 s7, s5;
	[tilespmem:s8+$0x60] =	vst v61;
	v63 =	vmin.f32 v62, $1.000000000e+00  }
.Ltmp1:
0x23: {  	[tilespmem:s8+$0x70] =	vst v63;
	(pc) =	sbr.rel @p0 .LBB2_1-.Ltmp1, $4  }
0x24: {  	[hbm4b:s4+s2] =	stream.linear.scatter [tilespmem:s2], [sflag:$0x1], $0x8000, $0x38;
	[tilespmem:$0x8000] =	vst v63  }
0x25: {  	_ =	swait.ge [sflag:s6], $0x8000  }
0x26: {  	[sflag:s6] =	ssyncset.done $0x0  }
0x27: {  	[sflag:s6] =	ssyncadd.s32 $0xFFFF8000  }
0x28: {  	_ =	sfence.sel $0x180000  }
0x29: {  	[bflag:$0x0] =	sbarrier.arrive $0xFFFF  }
0x2a: {  	p0 =	sne.s32 s1, $0x0;
	_ =	strace $0x90000047  }
0x2b: {  	s0 =	sadd.s32 @!p0 $0x100000, s0;
	[bflag:$0x2] =	sbarrier.arrive $0xFFFF  }
0x2c: {  	[sflag:s0] =	ssyncadd.tile.s32 @!p0 $0x1;
	_ =	shalt  }
.Lfunc_end2:
_tile_overlayer_lowered:
.L_overlay_start_2:
0x2d: {  	(tag) =	ssettag $0x2  }
0x2e: {  	s0 =	rddreg [dreg:$0x0];
	s2 =	stileid.u32  }
0x2f: {  	s1 =	rddreg [dreg:$0x1];
	p0 =	sne.s32 s2, $0x0  }
0x30: {  	s3 =	rddreg [dreg:$0x2];
	[bflag:$0x3] =	sbarrier.arrive $0xFFFF;
	s2 =	simm.s32 @!p0 $0x1C01  }
0x31: {  	[timem:s3], [sflag:s2] =	dma.local @!p0 [hbm:s0], s1  }
0x32: {  	s0 =	simm.s32 @!p0 $0x1  }
0x33: {  	_ =	swait.ge @!p0 [sflag:s0], s1  }
0x34: {  	s1 =	ssub.s32 @!p0 $0x0, s1;
	[sflag:s0] =	ssyncset.done @!p0 $0x0  }
0x35: {  	[sflag:s0] =	ssyncadd.s32 @!p0 s1  }
0x36: {  	[bflag:$0x3] =	sbarrier.arrive $0xFFFF  }
0x37: {  	_ =	shalt  }

</sc_bundles>
